<compile_context>
chip_gen: v7x
topology: tpu7x:2x2x1
jax: 0.10.2.dev20260603
libtpu: 0.0.44.dev20260713+nightly
codegen_flags: <defaults>
</compile_context>

<pallas_src>
import functools

import jax
import jax.numpy as jnp
from jax import lax
from jax.experimental import pallas as pl
from jax.experimental.pallas import tpu as pltpu, tpu_sc as plsc

T_MAX = 1000
BETA_MIN = 0.0001
BETA_MAX = 0.02

_L = 16
_NC = 1
_NS = 16
_NW = _NC * _NS


def _sc_kernel(B):
    b_per_w = B // _NW
    mesh = plsc.VectorSubcoreMesh(core_axis_name="c", subcore_axis_name="s", num_cores=_NC)

    @functools.partial(
        pl.kernel,
        mesh=mesh,
        out_type=(
            jax.ShapeDtypeStruct((B,), jnp.float32),
            jax.ShapeDtypeStruct((B,), jnp.float32),
        ),
        scratch_types=[
            pltpu.VMEM((b_per_w,), jnp.int32),
            pltpu.VMEM((T_MAX,), jnp.float32),
            pltpu.VMEM((b_per_w,), jnp.float32),
            pltpu.VMEM((b_per_w,), jnp.float32),
            pltpu.SemaphoreType.DMA,
            pltpu.SemaphoreType.DMA,
            pltpu.SemaphoreType.DMA,
            pltpu.SemaphoreType.DMA,
        ],
        compiler_params=pltpu.CompilerParams(
            needs_layout_passes=False,
            skip_device_barrier=True,
            disable_bounds_checks=True,
            disable_semaphore_checks=True,
        ),
    )
    def k(t_hbm, abars_hbm, abars_t_hbm, betas_hbm, idx_v, tab_v, oa_v, ob_v,
          sem0, sem1, sem2, sem3):
        wid = lax.axis_index("s") * _NC + lax.axis_index("c") if _NC > 1 else lax.axis_index("s")
        base = wid * b_per_w
        H = b_per_w // 2
        cp_idx = pltpu.async_copy(t_hbm.at[pl.ds(base, b_per_w)], idx_v, sem0)
        cp_tab = pltpu.async_copy(abars_hbm, tab_v, sem1)
        scale = jnp.float32((BETA_MAX - BETA_MIN) / T_MAX)
        bmin = jnp.float32(BETA_MIN)
        cp_idx.wait()
        cp_tab.wait()

        @plsc.parallel_loop(0, H, _L, unroll=4)
        def body0(o):
            tv = idx_v[pl.ds(o, _L)]
            oa_v[pl.ds(o, _L)] = plsc.load_gather(tab_v, [tv])
            ob_v[pl.ds(o, _L)] = tv.astype(jnp.float32) * scale + bmin

        cp_a0 = pltpu.async_copy(oa_v.at[pl.ds(0, H)], abars_t_hbm.at[pl.ds(base, H)], sem0)
        cp_b0 = pltpu.async_copy(ob_v.at[pl.ds(0, H)], betas_hbm.at[pl.ds(base, H)], sem1)

        @plsc.parallel_loop(H, b_per_w, _L, unroll=4)
        def body1(o):
            tv = idx_v[pl.ds(o, _L)]
            oa_v[pl.ds(o, _L)] = plsc.load_gather(tab_v, [tv])
            ob_v[pl.ds(o, _L)] = tv.astype(jnp.float32) * scale + bmin

        cp_a1 = pltpu.async_copy(oa_v.at[pl.ds(H, H)], abars_t_hbm.at[pl.ds(base + H, H)], sem2)
        cp_b1 = pltpu.async_copy(ob_v.at[pl.ds(H, H)], betas_hbm.at[pl.ds(base + H, H)], sem3)
        cp_a0.wait()
        cp_b0.wait()
        cp_a1.wait()
        cp_b1.wait()

    return k


def kernel(t, abars):
    B = t.shape[0]
    abars_t, betas = _sc_kernel(B)(t, abars)
    return (abars_t, betas)

# --- scband reference (transcript-rebuilt; emitter-appended) ---
"""Pipeline reference for scband-beta-scheduler-28561532518783 (READ-ONLY COPY).

The authoritative reference and input builder live on the scoring server;
editing this copy changes nothing except your own understanding.
"""

import jax, jax.numpy as jnp
import numpy as np

T_MAX = 1000
BETA_MIN = 0.0001
BETA_MAX = 0.02
BATCH = 16384


def setup_inputs(seed: int = 0) -> dict:
    key = jax.random.key(seed)
    t = jax.random.randint(key, (BATCH,), 0, T_MAX, dtype=jnp.int32)
    # buffer: abars = cumprod(1 - linspace(beta_min, beta_max, t_max))
    abars = jnp.cumprod(1.0 - jnp.linspace(BETA_MIN, BETA_MAX, T_MAX, dtype=jnp.float32))
    return {"t": t, "abars": abars}


def reference(t, abars):
    B = t.shape[0]
    Tm = abars.shape[0]
    # faithful translation of torch.gather(abars.unsqueeze(1).expand(-1, B), 0, t.unsqueeze(0).expand(Tm, -1)).max(0).values
    abars_exp = jnp.broadcast_to(abars[:, None], (Tm, B))
    idx = jnp.broadcast_to(t[None, :], (Tm, B))
    gathered = jnp.take_along_axis(abars_exp, idx, axis=0)
    abars_t = jnp.max(gathered, axis=0)
    betas = BETA_MIN + t / T_MAX * (BETA_MAX - BETA_MIN)
    return (abars_t, betas)

if __name__ == "__main__":
    import jax
    _d = setup_inputs()
    print(jax.jit(kernel)(*tuple(_d.values())))

</pallas_src>

<mosaic_0001>
#map = affine_map<(d0, d1) -> (0)>
module attributes {stable_mosaic.version = 14 : i64} {
  func.func @k(%arg0: i32, %arg1: i32, %arg2: memref<16384xi32, #tpu.memory_space<hbm>>, %arg3: memref<1000xf32, #tpu.memory_space<hbm>>, %arg4: memref<16384xf32, #tpu.memory_space<hbm>>, %arg5: memref<16384xf32, #tpu.memory_space<hbm>>, %arg6: memref<1024xi32, #tpu.memory_space<vmem>>, %arg7: memref<1000xf32, #tpu.memory_space<vmem>>, %arg8: memref<1024xf32, #tpu.memory_space<vmem>>, %arg9: memref<1024xf32, #tpu.memory_space<vmem>>, %arg10: memref<!tpu.dma_semaphore, #tpu.memory_space<semaphore_mem>>, %arg11: memref<!tpu.dma_semaphore, #tpu.memory_space<semaphore_mem>>, %arg12: memref<!tpu.dma_semaphore, #tpu.memory_space<semaphore_mem>>, %arg13: memref<!tpu.dma_semaphore, #tpu.memory_space<semaphore_mem>>) attributes {dimension_semantics = [#tpu.dimension_semantics<core_parallel>, #tpu.dimension_semantics<subcore_parallel>], iteration_bounds = array<i64: 1, 16>, scalar_prefetch = 0 : i64, scratch_operands = 8 : i64, tpu.core_type = #tpu.core_type<sc_vector_subcore>, window_params = [{transform_indices = #map}, {transform_indices = #map}, {transform_indices = #map}, {transform_indices = #map}]} {
    %mul3A = arith.constant 1024 : i32
    %mul3A_0 = arith.muli %arg1, %mul3A : i32
    %dma_start3A = tpu.memref_slice %arg2[%mul3A_0] : memref<16384xi32, #tpu.memory_space<hbm>> -> memref<1024xi32, #tpu.memory_space<hbm>>
    %dma_start3A_1 = tpu.memref_slice %arg2[%mul3A_0] : memref<16384xi32, #tpu.memory_space<hbm>> -> memref<1024xi32, #tpu.memory_space<hbm>>
    tpu.enqueue_dma source(%dma_start3A_1 : memref<1024xi32, #tpu.memory_space<hbm>>) target(%arg6 : memref<1024xi32, #tpu.memory_space<vmem>>) target_semaphore(%arg10 : memref<!tpu.dma_semaphore, #tpu.memory_space<semaphore_mem>>)
    tpu.enqueue_dma source(%arg3 : memref<1000xf32, #tpu.memory_space<hbm>>) target(%arg7 : memref<1000xf32, #tpu.memory_space<vmem>>) target_semaphore(%arg11 : memref<!tpu.dma_semaphore, #tpu.memory_space<semaphore_mem>>)
    %dma_wait3A = tpu.memref_slice %arg2[%mul3A_0] : memref<16384xi32, #tpu.memory_space<hbm>> -> memref<1024xi32, #tpu.memory_space<hbm>>
    %dma_wait3A_2 = tpu.memref_slice %arg2[%mul3A_0] : memref<16384xi32, #tpu.memory_space<hbm>> -> memref<1024xi32, #tpu.memory_space<hbm>>
    tpu.wait_dma2 semaphore(%arg10 : memref<!tpu.dma_semaphore, #tpu.memory_space<semaphore_mem>>) src(%dma_wait3A_2 : memref<1024xi32, #tpu.memory_space<hbm>>) dst(%arg6 : memref<1024xi32, #tpu.memory_space<vmem>>)
    tpu.wait_dma2 semaphore(%arg11 : memref<!tpu.dma_semaphore, #tpu.memory_space<semaphore_mem>>) src(%arg3 : memref<1000xf32, #tpu.memory_space<hbm>>) dst(%arg7 : memref<1000xf32, #tpu.memory_space<vmem>>)
    %parallel_loop3A = arith.constant 0 : i32
    %parallel_loop3A_3 = arith.constant 512 : i32
    %parallel_loop3A_4 = arith.constant 16 : i32
    %parallel_loop3A_5 = arith.constant 1.990000e-05 : f32
    %parallel_loop3A_6 = arith.constant 9.99999974E-5 : f32
    scf.for %parallel_loop3A_63 = %parallel_loop3A to %parallel_loop3A_3 step %parallel_loop3A_4  : i32 {
      %parallel_loop3A_64 = arith.index_cast %parallel_loop3A_63 : i32 to index
      %parallel_loop3A_65 = tpu.vector_load %arg6[%parallel_loop3A_64] {strides = array<i32>} : memref<1024xi32, #tpu.memory_space<vmem>>, vector<16xi32>,
      %parallel_loop3A_66 = tpu.vector_load_idx %arg7[%parallel_loop3A_65] : memref<1000xf32, #tpu.memory_space<vmem>>[vector<16xi32>], vector<16xf32>,
      %parallel_loop3A_67 = arith.index_cast %parallel_loop3A_63 : i32 to index
      %parallel_loop3A_68 = tpu.vector_load %arg8[%parallel_loop3A_67] {strides = array<i32>} : memref<1024xf32, #tpu.memory_space<vmem>>, vector<16xf32>,
      tpu.vector_store %arg8[%parallel_loop3A_67], %parallel_loop3A_66 {strides = array<i32>} : memref<1024xf32, #tpu.memory_space<vmem>>, vector<16xf32>,
      %parallel_loop3A_69 = arith.sitofp %parallel_loop3A_65 : vector<16xi32> to vector<16xf32>
      %parallel_loop3A_70 = vector.broadcast %parallel_loop3A_5 : f32 to vector<16xf32>
      %parallel_loop3A_71 = arith.mulf %parallel_loop3A_69, %parallel_loop3A_70 : vector<16xf32>
      %parallel_loop3A_72 = vector.broadcast %parallel_loop3A_6 : f32 to vector<16xf32>
      %parallel_loop3A_73 = arith.addf %parallel_loop3A_71, %parallel_loop3A_72 : vector<16xf32>
      %parallel_loop3A_74 = arith.index_cast %parallel_loop3A_63 : i32 to index
      %parallel_loop3A_75 = tpu.vector_load %arg9[%parallel_loop3A_74] {strides = array<i32>} : memref<1024xf32, #tpu.memory_space<vmem>>, vector<16xf32>,
      tpu.vector_store %arg9[%parallel_loop3A_74], %parallel_loop3A_73 {strides = array<i32>} : memref<1024xf32, #tpu.memory_space<vmem>>, vector<16xf32>,
    } {sc.loop_unroll_factor = 4 : i64, sc.parallel_access}
    %dma_start3A_7 = arith.constant 0 : i32
    %dma_start3A_8 = tpu.memref_slice %arg8[%dma_start3A_7] : memref<1024xf32, #tpu.memory_space<vmem>> -> memref<512xf32, #tpu.memory_space<vmem>>
    %dma_start3A_9 = tpu.memref_slice %arg4[%mul3A_0] : memref<16384xf32, #tpu.memory_space<hbm>> -> memref<512xf32, #tpu.memory_space<hbm>>
    %dma_start3A_10 = tpu.memref_slice %arg4[%mul3A_0] : memref<16384xf32, #tpu.memory_space<hbm>> -> memref<512xf32, #tpu.memory_space<hbm>>
    %dma_start3A_11 = arith.constant 0 : i32
    %dma_start3A_12 = tpu.memref_slice %arg8[%dma_start3A_11] : memref<1024xf32, #tpu.memory_space<vmem>> -> memref<512xf32, #tpu.memory_space<vmem>>
    tpu.enqueue_dma source(%dma_start3A_12 : memref<512xf32, #tpu.memory_space<vmem>>) target(%dma_start3A_10 : memref<512xf32, #tpu.memory_space<hbm>>) target_semaphore(%arg10 : memref<!tpu.dma_semaphore, #tpu.memory_space<semaphore_mem>>)
    %dma_start3A_13 = arith.constant 0 : i32
    %dma_start3A_14 = tpu.memref_slice %arg9[%dma_start3A_13] : memref<1024xf32, #tpu.memory_space<vmem>> -> memref<512xf32, #tpu.memory_space<vmem>>
    %dma_start3A_15 = tpu.memref_slice %arg5[%mul3A_0] : memref<16384xf32, #tpu.memory_space<hbm>> -> memref<512xf32, #tpu.memory_space<hbm>>
    %dma_start3A_16 = tpu.memref_slice %arg5[%mul3A_0] : memref<16384xf32, #tpu.memory_space<hbm>> -> memref<512xf32, #tpu.memory_space<hbm>>
    %dma_start3A_17 = arith.constant 0 : i32
    %dma_start3A_18 = tpu.memref_slice %arg9[%dma_start3A_17] : memref<1024xf32, #tpu.memory_space<vmem>> -> memref<512xf32, #tpu.memory_space<vmem>>
    tpu.enqueue_dma source(%dma_start3A_18 : memref<512xf32, #tpu.memory_space<vmem>>) target(%dma_start3A_16 : memref<512xf32, #tpu.memory_space<hbm>>) target_semaphore(%arg11 : memref<!tpu.dma_semaphore, #tpu.memory_space<semaphore_mem>>)
    %parallel_loop3A_19 = arith.constant 512 : i32
    %parallel_loop3A_20 = arith.constant 1024 : i32
    %parallel_loop3A_21 = arith.constant 16 : i32
    %parallel_loop3A_22 = arith.constant 1.990000e-05 : f32
    %parallel_loop3A_23 = arith.constant 9.99999974E-5 : f32
    scf.for %parallel_loop3A_63 = %parallel_loop3A_19 to %parallel_loop3A_20 step %parallel_loop3A_21  : i32 {
      %parallel_loop3A_64 = arith.index_cast %parallel_loop3A_63 : i32 to index
      %parallel_loop3A_65 = tpu.vector_load %arg6[%parallel_loop3A_64] {strides = array<i32>} : memref<1024xi32, #tpu.memory_space<vmem>>, vector<16xi32>,
      %parallel_loop3A_66 = tpu.vector_load_idx %arg7[%parallel_loop3A_65] : memref<1000xf32, #tpu.memory_space<vmem>>[vector<16xi32>], vector<16xf32>,
      %parallel_loop3A_67 = arith.index_cast %parallel_loop3A_63 : i32 to index
      %parallel_loop3A_68 = tpu.vector_load %arg8[%parallel_loop3A_67] {strides = array<i32>} : memref<1024xf32, #tpu.memory_space<vmem>>, vector<16xf32>,
      tpu.vector_store %arg8[%parallel_loop3A_67], %parallel_loop3A_66 {strides = array<i32>} : memref<1024xf32, #tpu.memory_space<vmem>>, vector<16xf32>,
      %parallel_loop3A_69 = arith.sitofp %parallel_loop3A_65 : vector<16xi32> to vector<16xf32>
      %parallel_loop3A_70 = vector.broadcast %parallel_loop3A_22 : f32 to vector<16xf32>
      %parallel_loop3A_71 = arith.mulf %parallel_loop3A_69, %parallel_loop3A_70 : vector<16xf32>
      %parallel_loop3A_72 = vector.broadcast %parallel_loop3A_23 : f32 to vector<16xf32>
      %parallel_loop3A_73 = arith.addf %parallel_loop3A_71, %parallel_loop3A_72 : vector<16xf32>
      %parallel_loop3A_74 = arith.index_cast %parallel_loop3A_63 : i32 to index
      %parallel_loop3A_75 = tpu.vector_load %arg9[%parallel_loop3A_74] {strides = array<i32>} : memref<1024xf32, #tpu.memory_space<vmem>>, vector<16xf32>,
      tpu.vector_store %arg9[%parallel_loop3A_74], %parallel_loop3A_73 {strides = array<i32>} : memref<1024xf32, #tpu.memory_space<vmem>>, vector<16xf32>,
    } {sc.loop_unroll_factor = 4 : i64, sc.parallel_access}
    %add3A = arith.constant 512 : i32
    %add3A_24 = arith.addi %mul3A_0, %add3A : i32
    %dma_start3A_25 = arith.constant 512 : i32
    %dma_start3A_26 = tpu.memref_slice %arg8[%dma_start3A_25] : memref<1024xf32, #tpu.memory_space<vmem>> -> memref<512xf32, #tpu.memory_space<vmem>>
    %dma_start3A_27 = tpu.memref_slice %arg4[%add3A_24] : memref<16384xf32, #tpu.memory_space<hbm>> -> memref<512xf32, #tpu.memory_space<hbm>>
    %dma_start3A_28 = tpu.memref_slice %arg4[%add3A_24] : memref<16384xf32, #tpu.memory_space<hbm>> -> memref<512xf32, #tpu.memory_space<hbm>>
    %dma_start3A_29 = arith.constant 512 : i32
    %dma_start3A_30 = tpu.memref_slice %arg8[%dma_start3A_29] : memref<1024xf32, #tpu.memory_space<vmem>> -> memref<512xf32, #tpu.memory_space<vmem>>
    tpu.enqueue_dma source(%dma_start3A_30 : memref<512xf32, #tpu.memory_space<vmem>>) target(%dma_start3A_28 : memref<512xf32, #tpu.memory_space<hbm>>) target_semaphore(%arg12 : memref<!tpu.dma_semaphore, #tpu.memory_space<semaphore_mem>>)
    %add3A_31 = arith.constant 512 : i32
    %add3A_32 = arith.addi %mul3A_0, %add3A_31 : i32
    %dma_start3A_33 = arith.constant 512 : i32
    %dma_start3A_34 = tpu.memref_slice %arg9[%dma_start3A_33] : memref<1024xf32, #tpu.memory_space<vmem>> -> memref<512xf32, #tpu.memory_space<vmem>>
    %dma_start3A_35 = tpu.memref_slice %arg5[%add3A_32] : memref<16384xf32, #tpu.memory_space<hbm>> -> memref<512xf32, #tpu.memory_space<hbm>>
    %dma_start3A_36 = tpu.memref_slice %arg5[%add3A_32] : memref<16384xf32, #tpu.memory_space<hbm>> -> memref<512xf32, #tpu.memory_space<hbm>>
    %dma_start3A_37 = arith.constant 512 : i32
    %dma_start3A_38 = tpu.memref_slice %arg9[%dma_start3A_37] : memref<1024xf32, #tpu.memory_space<vmem>> -> memref<512xf32, #tpu.memory_space<vmem>>
    tpu.enqueue_dma source(%dma_start3A_38 : memref<512xf32, #tpu.memory_space<vmem>>) target(%dma_start3A_36 : memref<512xf32, #tpu.memory_space<hbm>>) target_semaphore(%arg13 : memref<!tpu.dma_semaphore, #tpu.memory_space<semaphore_mem>>)
    %dma_wait3A_39 = arith.constant 0 : i32
    %dma_wait3A_40 = tpu.memref_slice %arg8[%dma_wait3A_39] : memref<1024xf32, #tpu.memory_space<vmem>> -> memref<512xf32, #tpu.memory_space<vmem>>
    %dma_wait3A_41 = tpu.memref_slice %arg4[%mul3A_0] : memref<16384xf32, #tpu.memory_space<hbm>> -> memref<512xf32, #tpu.memory_space<hbm>>
    %dma_wait3A_42 = tpu.memref_slice %arg4[%mul3A_0] : memref<16384xf32, #tpu.memory_space<hbm>> -> memref<512xf32, #tpu.memory_space<hbm>>
    %dma_wait3A_43 = arith.constant 0 : i32
    %dma_wait3A_44 = tpu.memref_slice %arg8[%dma_wait3A_43] : memref<1024xf32, #tpu.memory_space<vmem>> -> memref<512xf32, #tpu.memory_space<vmem>>
    tpu.wait_dma2 semaphore(%arg10 : memref<!tpu.dma_semaphore, #tpu.memory_space<semaphore_mem>>) src(%dma_wait3A_44 : memref<512xf32, #tpu.memory_space<vmem>>) dst(%dma_wait3A_42 : memref<512xf32, #tpu.memory_space<hbm>>)
    %dma_wait3A_45 = arith.constant 0 : i32
    %dma_wait3A_46 = tpu.memref_slice %arg9[%dma_wait3A_45] : memref<1024xf32, #tpu.memory_space<vmem>> -> memref<512xf32, #tpu.memory_space<vmem>>
    %dma_wait3A_47 = tpu.memref_slice %arg5[%mul3A_0] : memref<16384xf32, #tpu.memory_space<hbm>> -> memref<512xf32, #tpu.memory_space<hbm>>
    %dma_wait3A_48 = tpu.memref_slice %arg5[%mul3A_0] : memref<16384xf32, #tpu.memory_space<hbm>> -> memref<512xf32, #tpu.memory_space<hbm>>
    %dma_wait3A_49 = arith.constant 0 : i32
    %dma_wait3A_50 = tpu.memref_slice %arg9[%dma_wait3A_49] : memref<1024xf32, #tpu.memory_space<vmem>> -> memref<512xf32, #tpu.memory_space<vmem>>
    tpu.wait_dma2 semaphore(%arg11 : memref<!tpu.dma_semaphore, #tpu.memory_space<semaphore_mem>>) src(%dma_wait3A_50 : memref<512xf32, #tpu.memory_space<vmem>>) dst(%dma_wait3A_48 : memref<512xf32, #tpu.memory_space<hbm>>)
    %dma_wait3A_51 = arith.constant 512 : i32
    %dma_wait3A_52 = tpu.memref_slice %arg8[%dma_wait3A_51] : memref<1024xf32, #tpu.memory_space<vmem>> -> memref<512xf32, #tpu.memory_space<vmem>>
    %dma_wait3A_53 = tpu.memref_slice %arg4[%add3A_24] : memref<16384xf32, #tpu.memory_space<hbm>> -> memref<512xf32, #tpu.memory_space<hbm>>
    %dma_wait3A_54 = tpu.memref_slice %arg4[%add3A_24] : memref<16384xf32, #tpu.memory_space<hbm>> -> memref<512xf32, #tpu.memory_space<hbm>>
    %dma_wait3A_55 = arith.constant 512 : i32
    %dma_wait3A_56 = tpu.memref_slice %arg8[%dma_wait3A_55] : memref<1024xf32, #tpu.memory_space<vmem>> -> memref<512xf32, #tpu.memory_space<vmem>>
    tpu.wait_dma2 semaphore(%arg12 : memref<!tpu.dma_semaphore, #tpu.memory_space<semaphore_mem>>) src(%dma_wait3A_56 : memref<512xf32, #tpu.memory_space<vmem>>) dst(%dma_wait3A_54 : memref<512xf32, #tpu.memory_space<hbm>>)
    %dma_wait3A_57 = arith.constant 512 : i32
    %dma_wait3A_58 = tpu.memref_slice %arg9[%dma_wait3A_57] : memref<1024xf32, #tpu.memory_space<vmem>> -> memref<512xf32, #tpu.memory_space<vmem>>
    %dma_wait3A_59 = tpu.memref_slice %arg5[%add3A_32] : memref<16384xf32, #tpu.memory_space<hbm>> -> memref<512xf32, #tpu.memory_space<hbm>>
    %dma_wait3A_60 = tpu.memref_slice %arg5[%add3A_32] : memref<16384xf32, #tpu.memory_space<hbm>> -> memref<512xf32, #tpu.memory_space<hbm>>
    %dma_wait3A_61 = arith.constant 512 : i32
    %dma_wait3A_62 = tpu.memref_slice %arg9[%dma_wait3A_61] : memref<1024xf32, #tpu.memory_space<vmem>> -> memref<512xf32, #tpu.memory_space<vmem>>
    tpu.wait_dma2 semaphore(%arg13 : memref<!tpu.dma_semaphore, #tpu.memory_space<semaphore_mem>>) src(%dma_wait3A_62 : memref<512xf32, #tpu.memory_space<vmem>>) dst(%dma_wait3A_60 : memref<512xf32, #tpu.memory_space<hbm>>)
    return
  }
}

</mosaic_0001>

<sc_bundles>
// kernel: kernel.3.cloned.1.call-start
scs
__scs_entry_jumppad:
0x0: {  	(pc) =	sbr.rel $0x88, $3  }
0x1: {  	(tag) =	ssettag $0x0;
	lr =	simm.s32 $0x1  }
0x2: {  	[smem:$0x3F9F] =	sst lr;
	_ =	strace $0xD0000000  }
0x3: {  	_ = 	snop  }
0x4: {  	_ = 	snop  }
0x5: {  	_ = 	snop  }
0x6: {  	_ = 	snop  }
0x7: {  	_ = 	snop  }
__scs_overlays_trampoline_lowered:
0x8: {  	[smem:$0x3FAE] =	sst s0  }
0x9: {  	[smem:$0x3FAF] =	sst s1  }
0xa: {  	[smem:$0x3FB0] =	sst s2  }
0xb: {  	[smem:$0x3FB1] =	sst s3  }
0xc: {  	[smem:$0x3FB2] =	sst s4  }
0xd: {  	[smem:$0x3FB3] =	sst s5  }
0xe: {  	[smem:$0x3FB4] =	sst s6  }
0xf: {  	[smem:$0x3FB5] =	sst s7  }
0x10: {  	[smem:$0x3FB6] =	sst s8  }
0x11: {  	[smem:$0x3FB7] =	sst s9;
	s0 =	simm.s32 @!p0 $0x0  }
0x12: {  	s1 =	sld [smem:$0x3F9D];
	s0 =	simm.s32 @p0 $0x1  }
0x13: {  	[smem:$0x3FB8] =	sst s0;
	s0 =	simm.s32 @!p1 $0x0  }
0x14: {  	s2 =	sld [smem:$0x3F9C];
	s0 =	simm.s32 @p1 $0x1  }
0x15: {  	[smem:$0x3FB9] =	sst s0;
	s0 =	simm.s32 @!p2 $0x0  }
0x16: {  	s3 =	sld [smem:$0x3FDB];
	s0 =	simm.s32 @p2 $0x1  }
0x17: {  	s4 =	simm.s32 $0x1BF5;
	[smem:$0x3FBB] =	sst s0  }
0x18: {  	s0 =	sld [smem:$0x3F9E];
	_ =	swait.ge [sflag:s4], $0x0  }
0x19: {  	s7 =	sld [smem:$0x3F9F]  }
0x1a: {  	s8 =	sadd.s32 $0xFFFFE003, lr  }
0x1b: {  	s9 =	sadd.s32 $0xFFFFFEF7, lr;
	s5 =	simm.s32 $0xFFFFFFFF;
	p2 =	slt.u32 s8, $0xFFFFF086  }
0x1c: {  	p1 =	slt.u32 s9, $0xF7A;
	s5 =	simm.s32 @!p2 $0x0  }
0x1d: {  	s5 =	simm.s32 @p1 $0x1;
	p0 =	seq.s32 s7, s2  }
0x1e: {  	s7 =	smul.u32 @!p0 $0xF7A, s2;
	p2 =	seq.s32 @!p0 s5, $0x0  }
0x1f: {  	s9 =	smul.u32 $0xF7A, s1;
	s8 =	simm.s32 @!p0 $0x1BF5;
	p2 =	por !p2, p0  }
0x20: {  	[sflag:s8] =	ssyncset.s32 @!p0 $0xFFFFF086;
	s6 =	sadd.s32 @!p0 s3, s7;
	s7 =	simm.s32 @!p0 $0x108  }
0x21: {  	s3 =	sadd.s32 s3, s9;
	s6 =	sadd.s32 @!p0 $0x88, s6;
	s7 =	simm.s32 @p2 $0x1082  }
0x22: {  	[simem:s7], [sflag:s8] =	dma.local @!p0 [hbm:s6], $0xF7A  }
0x23: {  	s9 =	sor.u32 $0xD0000000, s2;
	s6 =	simm.s32 $0x108;
	_ =	swait.ge @!p0 [sflag:s8], $0x0  }
0x24: {  	s3 =	sadd.s32 $0x88, s3;
	s6 =	simm.s32 @!p1 $0x1082;
	[sflag:s4] =	ssyncset.s32 $0xFFFFF086  }
0x25: {  	[simem:s6], [sflag:s4] =	dma.local [hbm:s3], $0xF7A  }
0x26: {  	[smem:$0x3F9F] =	sst s1;
	(tag) =	ssettag s2;
	_ =	strace s9  }
0x27: {  	s1 =	sld [smem:$0x3FAF]  }
0x28: {  	s2 =	sld [smem:$0x3FB0]  }
0x29: {  	s4 =	sld [smem:$0x3FB2]  }
0x2a: {  	p0 =	seq.s32 s5, $0x0;
	s5 =	sld [smem:$0x3FB3]  }
0x2b: {  	s6 =	sld [smem:$0x3FB4]  }
0x2c: {  	s7 =	sld [smem:$0x3FB5]  }
0x2d: {  	s3 =	simm.s32 $0x108;
	s8 =	sld [smem:$0x3FB6]  }
0x2e: {  	s3 =	simm.s32 @!p0 $0x1082;
	s9 =	sld [smem:$0x3FB7]  }
0x2f: {  	lr =	sadd.s32 s0, s3;
	s0 =	sld [smem:$0x3FAE]  }
0x30: {  	s3 =	sld [smem:$0x3FB1]  }
0x31: {  	[smem:$0x3FBA] =	sst s10  }
0x32: {  	s10 =	sld [smem:$0x3FB8];
	_ =	sdelay $0x3  }
0x33: {  	p0 =	seq.s32 s10, $0x1;
	s10 =	sld [smem:$0x3FBA];
	_ =	sdelay $0x3  }
0x34: {  	[smem:$0x3FBA] =	sst s10  }
0x35: {  	s10 =	sld [smem:$0x3FB9];
	_ =	sdelay $0x3  }
0x36: {  	p1 =	seq.s32 s10, $0x1;
	s10 =	sld [smem:$0x3FBA];
	_ =	sdelay $0x3  }
0x37: {  	[smem:$0x3FBA] =	sst s10  }
0x38: {  	s10 =	sld [smem:$0x3FBB]  }
0x39: {  	_ = 	snop;
	(pc) =	sbr.ind lr, $3  }
0x3a: {  	_ = 	snop  }
0x3b: {  	_ = 	snop  }
0x3c: {  	p2 =	seq.s32 s10, $0x1;
	s10 =	sld [smem:$0x3FBA]  }
0x3d: {  	_ =	shalt  }
0x3e: {  	_ =	shalt  }
0x3f: {  	_ =	shalt  }
0x40: {  	_ =	shalt  }
0x41: {  	_ =	shalt  }
0x42: {  	_ =	shalt  }
0x43: {  	_ =	shalt  }
0x44: {  	_ =	shalt  }
0x45: {  	_ =	shalt  }
0x46: {  	_ =	shalt  }
0x47: {  	_ =	shalt  }
0x48: {  	_ =	shalt  }
0x49: {  	_ =	shalt  }
0x4a: {  	_ =	shalt  }
0x4b: {  	_ =	shalt  }
0x4c: {  	_ =	shalt  }
0x4d: {  	_ =	shalt  }
0x4e: {  	_ =	shalt  }
0x4f: {  	_ =	shalt  }
0x50: {  	_ =	shalt  }
0x51: {  	_ =	shalt  }
0x52: {  	_ =	shalt  }
0x53: {  	_ =	shalt  }
0x54: {  	_ =	shalt  }
0x55: {  	_ =	shalt  }
0x56: {  	_ =	shalt  }
0x57: {  	_ =	shalt  }
0x58: {  	_ =	shalt  }
0x59: {  	_ =	shalt  }
0x5a: {  	_ =	shalt  }
0x5b: {  	_ =	shalt  }
0x5c: {  	_ =	shalt  }
0x5d: {  	_ =	shalt  }
0x5e: {  	_ =	shalt  }
0x5f: {  	_ =	shalt  }
0x60: {  	_ =	shalt  }
0x61: {  	_ =	shalt  }
0x62: {  	_ =	shalt  }
0x63: {  	_ =	shalt  }
0x64: {  	_ =	shalt  }
0x65: {  	_ =	shalt  }
0x66: {  	_ =	shalt  }
0x67: {  	_ =	shalt  }
0x68: {  	_ =	shalt  }
0x69: {  	_ =	shalt  }
0x6a: {  	_ =	shalt  }
0x6b: {  	_ =	shalt  }
0x6c: {  	_ =	shalt  }
0x6d: {  	_ =	shalt  }
0x6e: {  	_ =	shalt  }
0x6f: {  	_ =	shalt  }
0x70: {  	_ =	shalt  }
0x71: {  	_ =	shalt  }
0x72: {  	_ =	shalt  }
0x73: {  	_ =	shalt  }
0x74: {  	_ =	shalt  }
0x75: {  	_ =	shalt  }
0x76: {  	_ =	shalt  }
0x77: {  	_ =	shalt  }
0x78: {  	_ =	shalt  }
0x79: {  	_ =	shalt  }
0x7a: {  	_ =	shalt  }
0x7b: {  	_ =	shalt  }
0x7c: {  	_ =	shalt  }
0x7d: {  	_ =	shalt  }
0x7e: {  	_ =	shalt  }
0x7f: {  	_ =	shalt  }
0x80: {  	_ =	shalt  }
0x81: {  	_ =	shalt  }
0x82: {  	_ =	shalt  }
0x83: {  	_ =	shalt  }
0x84: {  	_ =	shalt  }
0x85: {  	_ =	shalt  }
0x86: {  	_ =	shalt  }
0x87: {  	_ =	shalt  }
.Lfunc_end0:
.L_simem_size_0:
called_computation_lowered:
.L_overlay_start_0:
0x88: {  	s0 =	sld [smem:$0x3FD9]  }
0x89: {  	s1 =	sld [smem:$0x3FFE];
	_ =	sdelay $0x3  }
0x8a: {  	s0 =	sadd.s32 s1, s0  }
0x8b: {  	[smem:$0x3FC6] =	sst s0  }
0x8c: {  	_ = 	snop  }
0x8d: {  	s0 =	sld [smem:$0x3FD0];
	_ =	sdelay $0x1  }
0x8e: {  	s14 =	sld [smem:$0x3FC9]  }
0x8f: {  	s3 =	simm.s32 $0xA;
	s4 =	simm.s32 $0x10;
	s2 =	sld [smem:$0x3FC8]  }
0x90: {  	[smem:s4], [sflag:s3] =	dma.local [hbm:s0], $0x1  }
0x91: {  	_ =	swait.eq [sflag:s3], $0x1  }
0x92: {  	[sflag:s3] =	ssyncset.done $0x0  }
0x93: {  	s15 =	sld [smem:$0x10];
	[sflag:s3] =	ssyncadd.s32 $0xFFFFFFFF  }
0x94: {  	s16 =	sld [smem:$0x11];
	(tm) =	ssettm $0x1  }
0x95: {  	s17 =	sld [smem:$0x3FFB];
	_ =	sdelay $0x3  }
0x96: {  	_ =	strace s17  }
0x97: {  	s4 =	sld [smem:$0x3FFC];
	_ =	sdelay $0x3  }
0x98: {  	_ =	strace s4  }
0x99: {  	s4 =	sld [smem:$0x3FFD];
	_ =	sdelay $0x3  }
0x9a: {  	_ =	strace s4  }
0x9b: {  	_ =	strace $0x8FFFFFFF  }
0x9c: {  	s18 =	sld [smem:$0x3FDB];
	_ =	sdelay $0x1  }
0x9d: {  	s5 =	simm.s32 $_scs_section_size  }
0x9e: {  	s6 =	simm.s32 $_size__tile_overlayer_lowered;
	s7 =	simm.s32 $_tile_overlayer_lowered  }
0x9f: {  	s21 =	simm.s32 $0x1BFF;
	s20 =	sshll.u32 s7, $0x1;
	s4 =	sadd.s32 s5, s18  }
0xa0: {  	s8 =	simm.s32 $0x0;
	s19 =	sshll.u32 s6, $0x1;
	s6 =	sadd.s32 s20, s4  }
0xa1: {  	[timem:s8], [sflag:s21] =	dma.local [hbm:s6], s19  }
0xa2: {  	_ =	swait.ge [sflag:s21], s19  }
0xa3: {  	s5 =	ssub.s32 $0x0, s19;
	[sflag:s21] =	ssyncset.done $0x0  }
0xa4: {  	[sflag:s21] =	ssyncadd.s32 s5;
	_ =	sdelay $0x1  }
0xa5: {  	s22 =	simm.s32 $0x1B8B  }
0xa6: {  	_ =	swait.ge [sflag:s22], $0x1  }
0xa7: {  	[sflag:s22] =	ssyncset.done $0x0  }
0xa8: {  	s23 =	simm.s32 $0x1B8E;
	[sflag:s22] =	ssyncadd.s32 $0xFFFFFFFF  }
0xa9: {  	s24 =	simm.s32 $execute0_lowered;
	[smem:$0x3FD2] =	sst s23  }
0xaa: {  	s5 =	sshll.u32 s24, $0x1;
	_ =	strace $0x80000046;
	[dreg:$0x1] =	wrdreg $0xFFFFFFFF  }
0xab: {  	s25 =	simm.s32 $_size_execute0_lowered;
	s4 =	sadd.s32 s4, s5;
	[dreg:$0x0] =	wrdreg $0x0  }
0xac: {  	s5 =	sshll.u32 s25, $0x1;
	[dreg:$0x2] =	wrdreg s4  }
0xad: {  	[dreg:$0x3] =	wrdreg s5  }
0xae: {  	[dreg:$0x4] =	wrdreg $0xC0  }
0xaf: {  	_ =	task [dreg:s8], $0x5FFFF  }
0xb0: {  	[dreg:$0x1] =	wrdreg $0xFFFFFFFF  }
0xb1: {  	[dreg:$0x0] =	wrdreg $0x60  }
0xb2: {  	[dreg:$0x2] =	wrdreg s14  }
0xb3: {  	[dreg:$0x3] =	wrdreg s2  }
0xb4: {  	[dreg:$0x4] =	wrdreg s15  }
0xb5: {  	[dreg:$0x5] =	wrdreg s16  }
0xb6: {  	[dreg:$0x6] =	wrdreg $0x9  }
0xb7: {  	_ =	task.clear_ibuf [dreg:s8], $0x7FFFF;
	_ =	strace $0x90000046  }
0xb8: {  	s26 =	simm.s32 $0x9;
	_ =	strace $0x80000048  }
0xb9: {  	_ =	swait.ge [sflag:s26], $0x1  }
0xba: {  	[sflag:s26] =	ssyncadd.s32 $0xFFFFFFFF  }
0xbb: {  	_ =	strace $0x90000048  }
0xbc: {  	_ =	sfence  }
0xbd: {  	s28 =	sld [smem:$0x0];
	_ =	sdelay $0x1  }
0xbe: {  	s29 =	srdreg.scid  }
0xbf: {  	s30 =	sshll.u32 s29, $0xD;
	s31 =	sshrl.u32 s29, $0x2  }
0xc0: {  	s1 =	sand.u32 $0x1, s29;
	s2 =	sand.u32 $0x4000, s30;
	s0 =	sadd.s32 s31, s28  }
0xc1: {  	s1 =	sor.u32 s2, s1;
	s0 =	sshll.u32 s0, $0x11  }
0xc2: {  	s0 =	sor.u32 s0, s1  }
0xc3: {  	s0 =	sadd.s32 $0x8F2B, s0  }
0xc4: {  	[sflag:s0] =	ssyncadd.remote.s32 $0x1  }
0xc5: {  	_ =	sfence.sel $0xFFFF  }
0xc6: {  	[dreg:$0x0] =	wrdreg $0xFFFFFFFF;
	(pc) =	sbr.abs _section_cstart, $3  }
0xc7: {  	[dreg:$0x1] =	wrdreg $0xFFFFFFFF  }
0xc8: {  	_ =	task.clear_ibuf [dreg:s8], $0x2FFFF;
	_ =	strace $0x9FFFFFFF  }
0xc9: {  	(tm) =	ssettm $0x7FFFFFFF  }
tec
execute0_lowered:
.L_overlay_start_1:
0x0: {  	(tag) =	ssettag $0x1  }
0x1: {  	s5 =	rddreg [dreg:$0x0]  }
0x2: {  	s6 =	rddreg [dreg:$0x1]  }
0x3: {  	s3 =	rddreg [dreg:$0x2]  }
0x4: {  	s2 =	rddreg [dreg:$0x3];
	s7 =	simm.s32 $0x0;
	s1 =	stileid.u32  }
0x5: {  	[smem:$0x7FF] =	sst s7;
	s4 =	sshll.u32 s1, $0x7  }
0x6: {  	s0 =	rddreg [dreg:$0x4];
	_ =	strace $0x80000047;
	s5 =	sadd.s32 s5, s4  }
0x7: {  	[tilespmem:s7], [sflag:$0x1] =	stream.linear.gather [hbm4b:s5+s7], $0x400, $0x38;
	[tilespmem:$0x1000] =	vst v63  }
0x8: {  	s28 =	simm.s32 $0x1;
	s5 =	simm.s32 $0x400  }
0x9: {  	[tilespmem:s5], [sflag:$0x2] =	stream.linear.gather [hbm4b:s6+s7], $0x400, $0x38;
	[tilespmem:$0x1000] =	vst v63  }
0xa: {  	_ =	swait.ge [sflag:s28], $0x400  }
0xb: {  	[sflag:s28] =	ssyncset.done $0x0  }
0xc: {  	s29 =	simm.s32 $0x2;
	[sflag:s28] =	ssyncadd.s32 $0xFFFFFC00  }
0xd: {  	_ =	swait.ge [sflag:s29], $0x400  }
0xe: {  	[sflag:s29] =	ssyncset.done $0x0  }
0xf: {  	s30 =	simm.s32 $0x20;
	[sflag:s29] =	ssyncadd.s32 $0xFFFFFC00  }
0x10: {  	v0 =	vld [tilespmem:s30+$0x10];
	_ =	sdelay $0x2  }
0x11: {  	v3 =	vld [tilespmem:s30+$0xFFFFFFF0]  }
0x12: {  	v4 =	vld [tilespmem:s30+$0xFFFFFFE0]  }
0x13: {  	s31 =	simm.s32 $0x60;
	v7 =	vld [tilespmem:s30+$0x0]  }
0x14: {  	v2 =	vld [tilespmem:s31+$0x10]  }
0x15: {  	v1 =	vld [tilespmem:s31+$0xFFFFFFF0]  }
0x16: {  	v10 =	vld.idx.msk [tilespmem:v0+s5+$0x0], $0xffff  }
0x17: {  	v5 =	vcvt.s32.f32 v3;
	v6 =	vcvt.s32.f32 v0;
	v0 =	vld [tilespmem:s31+$0x0]  }
0x18: {  	v9 =	vld [tilespmem:s31+$0xFFFFFFE0];
	v8 =	vcvt.s32.f32 v7;
	v11 =	vcvt.s32.f32 v4  }
0x19: {  	v5 =	vmul.f32 $1.990000060e-05, v5;
	v6 =	vmul.f32 $1.990000060e-05, v6  }
0x1a: {  	v12 =	vmul.f32 $1.990000060e-05, v8;
	v11 =	vmul.f32 $1.990000060e-05, v11;
	v8 =	vld.idx.msk [tilespmem:v4+s5+$0x0], $0xffff  }
0x1b: {  	s11 =	simm.s32 $0xA0;
	s6 =	simm.s32 $0x820;
	v14 =	vcvt.s32.f32 v1;
	v7 =	vld.idx.msk [tilespmem:v7+s5+$0x0], $0xffff;
	v13 =	vadd.f32 $9.999999740e-05, v6  }
0x1c: {  	s9 =	simm.s32 $0x820;
	s8 =	simm.s32 $0xC20;
	s7 =	simm.s32 $0xC20;
	v4 =	vadd.f32 $9.999999740e-05, v5;
	v6 =	vld.idx.msk [tilespmem:v3+s5+$0x0], $0xffff;
	v5 =	vadd.f32 $9.999999740e-05, v11;
	[tilespmem:s6+$0x10] =	vst v10;
	v11 =	vcvt.s32.f32 v0  }
0x1d: {  	s10 =	simm.s32 $0x40;
	v3 =	vadd.f32 $9.999999740e-05, v12;
	v12 =	vmul.f32 $1.990000060e-05, v14;
	v10 =	vld.idx.msk [tilespmem:v2+s5+$0x0], $0xffff;
	[tilespmem:s7+$0x10] =	vst v13;
	v13 =	vcvt.s32.f32 v9  }
.LBB2_1:
0x1e: {  	v11 =	vmul.f32 $1.990000060e-05, v11  }
0x1f: {  	v14 =	vcvt.s32.f32 v2;
	v2 =	vld [tilespmem:s11+$0x10];
	s10 =	sadd.s32 $0x40, s10;
	v18 =	vmul.f32 $1.990000060e-05, v13  }
0x20: {  	v15 =	vld [tilespmem:s11+$0xFFFFFFF0];
	v12 =	vadd.f32 $9.999999740e-05, v12;
	[tilespmem:s6+$0xFFFFFFE0] =	vst v8;
	p0 =	slt.u32 s10, $0x1C0  }
0x21: {  	v16 =	vld [tilespmem:s11+$0x0];
	v17 =	vadd.f32 $9.999999740e-05, v11;
	v11 =	vmul.f32 $1.990000060e-05, v14;
	[tilespmem:s7+$0xFFFFFFE0] =	vst v5  }
0x22: {  	v13 =	vmov v7;
	v14 =	vld [tilespmem:s11+$0xFFFFFFE0];
	v5 =	vadd.f32 $9.999999740e-05, v18;
	[tilespmem:s6+$0xFFFFFFF0] =	vst v6  }
.Ltmp0:
0x23: {  	s6 =	sadd.s32 $0x40, s6;
	v8 =	vld.idx.msk [tilespmem:v9+s5+$0x0], $0xffff;
	v9 =	vadd.f32 $9.999999740e-05, v11;
	[tilespmem:s7+$0xFFFFFFF0] =	vst v4;
	v4 =	vmov v12;
	(pc) =	sbr.rel @p0 .LBB2_1-.Ltmp0, $4  }
0x24: {  	s7 =	sadd.s32 $0x40, s7;
	v6 =	vld.idx.msk [tilespmem:v1+s5+$0x0], $0xffff;
	[tilespmem:s6+$0x10] =	vst v10  }
0x25: {  	v10 =	vcvt.s32.f32 v15;
	v7 =	vld.idx.msk [tilespmem:v0+s5+$0x0], $0xffff;
	[tilespmem:s7+$0x10] =	vst v9;
	v1 =	vmov v15  }
0x26: {  	v11 =	vcvt.s32.f32 v16;
	[tilespmem:s9+$0x0] =	vst v13;
	v0 =	vmov v16;
	s9 =	smov.u32 s6  }
0x27: {  	s11 =	sadd.s32 $0x40, s11;
	v13 =	vcvt.s32.f32 v14;
	v12 =	vmul.f32 $1.990000060e-05, v10;
	v10 =	vld.idx.msk [tilespmem:v2+s5+$0x0], $0xffff;
	[tilespmem:s8+$0x0] =	vst v3;
	v3 =	vmovc v17;
	v9 =	vmov v14;
	s8 =	smov.u32 s7  }
0x28: {  	_ =	sdelay $0x1  }
0x29: {  	[tilespmem:s6+$0xFFFFFFE0] =	vst v8  }
0x2a: {  	[tilespmem:s7+$0xFFFFFFE0] =	vst v5  }
0x2b: {  	v1 =	vld.idx.msk [tilespmem:v1+s5+$0x0], $0xffff;
	[tilespmem:s6+$0xFFFFFFF0] =	vst v6  }
0x2c: {  	v2 =	vcvt.s32.f32 v2;
	v0 =	vld.idx.msk [tilespmem:v0+s5+$0x0], $0xffff;
	[tilespmem:s7+$0xFFFFFFF0] =	vst v4  }
0x2d: {  	[tilespmem:s9+$0x0] =	vst v7  }
0x2e: {  	s20 =	sadd.s32 $0x40, s6;
	v5 =	vld.idx.msk [tilespmem:v9+s5+$0x0], $0xffff;
	v2 =	vmul.f32 $1.990000060e-05, v2;
	[tilespmem:s8+$0x0] =	vst v3  }
0x2f: {  	[tilespmem:s20+$0x10] =	vst v10  }
0x30: {  	v3 =	vmul.f32 $1.990000060e-05, v11;
	v2 =	vadd.f32 $9.999999740e-05, v2;
	[tilespmem:s20+$0xFFFFFFF0] =	vst v1  }
0x31: {  	s21 =	sadd.s32 $0x40, s7;
	v4 =	vmul.f32 $1.990000060e-05, v13;
	[tilespmem:s20+$0x0] =	vst v0  }
0x32: {  	v1 =	vadd.f32 $9.999999740e-05, v3;
	[tilespmem:s21+$0x10] =	vst v2  }
0x33: {  	v2 =	vadd.f32 $9.999999740e-05, v4;
	[tilespmem:s20+$0xFFFFFFE0] =	vst v5  }
0x34: {  	v4 =	vadd.f32 $9.999999740e-05, v12;
	[tilespmem:s21+$0x0] =	vst v1  }
0x35: {  	[tilespmem:s21+$0xFFFFFFE0] =	vst v2  }
0x36: {  	s22 =	sadd.s32 s3, s4;
	s23 =	simm.s32 $0x0;
	s24 =	simm.s32 $0x800;
	[tilespmem:s21+$0xFFFFFFF0] =	vst v4  }
0x37: {  	[hbm4b:s22+s23] =	stream.linear.scatter [tilespmem:s24], [sflag:$0x1], $0x200, $0x38;
	[tilespmem:$0x1000] =	vst v63  }
0x38: {  	s25 =	sadd.s32 s2, s4;
	s26 =	simm.s32 $0xC00;
	s28 =	simm.s32 $0x230  }
0x39: {  	[hbm4b:s25+s23] =	stream.linear.scatter [tilespmem:s26], [sflag:$0x2], $0x200, $0x38;
	[tilespmem:$0x1000] =	vst v63  }
0x3a: {  	v0 =	vld [tilespmem:s28+$0x0]  }
0x3b: {  	v1 =	vld [tilespmem:s28+$0xFFFFFFD0]  }
0x3c: {  	v2 =	vld [tilespmem:s28+$0xFFFFFFE0]  }
0x3d: {  	s29 =	simm.s32 $0x270;
	v3 =	vld [tilespmem:s28+$0xFFFFFFF0]  }
0x3e: {  	v4 =	vld [tilespmem:s29+$0x0]  }
0x3f: {  	v7 =	vld [tilespmem:s29+$0xFFFFFFE0]  }
0x40: {  	v9 =	vld [tilespmem:s29+$0xFFFFFFF0]  }
0x41: {  	s5 =	simm.s32 $0x400;
	v6 =	vld [tilespmem:s29+$0xFFFFFFD0]  }
0x42: {  	v5 =	vld.idx.msk [tilespmem:v0+s5+$0x0], $0xffff  }
0x43: {  	v0 =	vcvt.s32.f32 v0;
	v8 =	vld.idx.msk [tilespmem:v1+s5+$0x0], $0xffff  }
0x44: {  	v1 =	vcvt.s32.f32 v1;
	v10 =	vld.idx.msk [tilespmem:v2+s5+$0x0], $0xffff  }
0x45: {  	v2 =	vcvt.s32.f32 v2;
	v15 =	vld.idx.msk [tilespmem:v3+s5+$0x0], $0xffff;
	v0 =	vmul.f32 $1.990000060e-05, v0  }
0x46: {  	s30 =	simm.s32 $0xA30;
	s31 =	simm.s32 $0x2B0;
	v11 =	vld.idx.msk [tilespmem:v4+s5+$0x0], $0xffff;
	v1 =	vmul.f32 $1.990000060e-05, v1  }
0x47: {  	v4 =	vcvt.s32.f32 v4;
	v12 =	vmul.f32 $1.990000060e-05, v2;
	v2 =	vld [tilespmem:s31+$0x0];
	v0 =	vadd.f32 $9.999999740e-05, v0;
	[tilespmem:s30+$0x0] =	vst v5  }
0x48: {  	s6 =	simm.s32 $0xE30;
	v13 =	vcvt.s32.f32 v7;
	v5 =	vadd.f32 $9.999999740e-05, v1;
	v1 =	vld [tilespmem:s31+$0xFFFFFFE0];
	[tilespmem:s30+$0xFFFFFFD0] =	vst v8  }
0x49: {  	v3 =	vcvt.s32.f32 v3;
	v4 =	vmul.f32 $1.990000060e-05, v4;
	[tilespmem:s6+$0x0] =	vst v0;
	v0 =	vld [tilespmem:s31+$0xFFFFFFF0]  }
0x4a: {  	s8 =	simm.s32 $0xA70;
	v14 =	vcvt.s32.f32 v9;
	v16 =	vcvt.s32.f32 v6;
	v8 =	vld [tilespmem:s31+$0xFFFFFFD0];
	[tilespmem:s30+$0xFFFFFFE0] =	vst v10  }
0x4b: {  	v13 =	vmul.f32 $1.990000060e-05, v13;
	v3 =	vmul.f32 $1.990000060e-05, v3;
	v4 =	vadd.f32 $9.999999740e-05, v4;
	[tilespmem:s8+$0x0] =	vst v11  }
0x4c: {  	s7 =	simm.s32 $0xE70;
	v14 =	vmul.f32 $1.990000060e-05, v14;
	v16 =	vmul.f32 $1.990000060e-05, v16;
	v10 =	vld.idx.msk [tilespmem:v6+s5+$0x0], $0xffff;
	[tilespmem:s30+$0xFFFFFFF0] =	vst v15  }
0x4d: {  	v9 =	vld.idx.msk [tilespmem:v9+s5+$0x0], $0xffff;
	v12 =	vadd.f32 $9.999999740e-05, v12;
	v6 =	vadd.f32 $9.999999740e-05, v3;
	[tilespmem:s7+$0x0] =	vst v4;
	v11 =	vcvt.s32.f32 v1  }
0x4e: {  	s10 =	simm.s32 $0x280;
	s11 =	simm.s32 $0x2F0;
	v3 =	vadd.f32 $9.999999740e-05, v13;
	v4 =	vadd.f32 $9.999999740e-05, v14;
	[tilespmem:s6+$0xFFFFFFD0] =	vst v5;
	v5 =	vld.idx.msk [tilespmem:v7+s5+$0x0], $0xffff;
	v13 =	vcvt.s32.f32 v0  }
0x4f: {  	s9 =	simm.s32 $0xA70;
	[tilespmem:s6+$0xFFFFFFE0] =	vst v12;
	v7 =	vadd.f32 $9.999999740e-05, v16;
	v14 =	vcvt.s32.f32 v8;
	v12 =	vmul.f32 $1.990000060e-05, v11;
	v11 =	vld.idx.msk [tilespmem:v2+s5+$0x0], $0xffff  }
.LBB2_3:
0x50: {  	v13 =	vmul.f32 $1.990000060e-05, v13;
	v15 =	vcvt.s32.f32 v2;
	v2 =	vld [tilespmem:s11+$0x0];
	[tilespmem:s6+$0xFFFFFFF0] =	vst v6;
	v6 =	vmov v4;
	s6 =	smov.u32 s7  }
0x51: {  	s10 =	sadd.s32 $0x40, s10;
	v16 =	vld [tilespmem:s11+$0xFFFFFFE0];
	v14 =	vmul.f32 $1.990000060e-05, v14;
	v12 =	vadd.f32 $9.999999740e-05, v12;
	[tilespmem:s8+$0xFFFFFFD0] =	vst v10  }
0x52: {  	p0 =	slt.u32 s10, $0x3C0;
	v17 =	vld [tilespmem:s11+$0xFFFFFFF0];
	v4 =	vadd.f32 $9.999999740e-05, v13;
	v13 =	vmul.f32 $1.990000060e-05, v15  }
0x53: {  	v18 =	vmov v9;
	v15 =	vld [tilespmem:s11+$0xFFFFFFD0];
	[tilespmem:s7+$0xFFFFFFD0] =	vst v7;
	v7 =	vadd.f32 $9.999999740e-05, v14  }
.Ltmp1:
0x54: {  	s8 =	sadd.s32 $0x40, s8;
	v10 =	vld.idx.msk [tilespmem:v8+s5+$0x0], $0xffff;
	v8 =	vadd.f32 $9.999999740e-05, v13;
	[tilespmem:s9+$0xFFFFFFE0] =	vst v5;
	(pc) =	sbr.rel @p0 .LBB2_3-.Ltmp1, $4  }
0x55: {  	s7 =	sadd.s32 $0x40, s7;
	v5 =	vld.idx.msk [tilespmem:v1+s5+$0x0], $0xffff;
	[tilespmem:s8+$0x0] =	vst v11  }
0x56: {  	v11 =	vcvt.s32.f32 v16;
	v9 =	vld.idx.msk [tilespmem:v0+s5+$0x0], $0xffff;
	[tilespmem:s7+$0x0] =	vst v8;
	v1 =	vmov v16  }
0x57: {  	v13 =	vcvt.s32.f32 v17;
	[tilespmem:s6+$0xFFFFFFE0] =	vst v3;
	v3 =	vmov v12;
	v0 =	vmov v17  }
0x58: {  	s11 =	sadd.s32 $0x40, s11;
	v14 =	vcvt.s32.f32 v15;
	v12 =	vmul.f32 $1.990000060e-05, v11;
	v11 =	vld.idx.msk [tilespmem:v2+s5+$0x0], $0xffff;
	[tilespmem:s9+$0xFFFFFFF0] =	vst v18;
	v8 =	vmov v15;
	s9 =	smov.u32 s8  }
0x59: {  	_ = 	snop  }
0x5a: {  	[tilespmem:s6+$0xFFFFFFF0] =	vst v6  }
0x5b: {  	[tilespmem:s8+$0xFFFFFFD0] =	vst v10  }
0x5c: {  	[tilespmem:s7+$0xFFFFFFD0] =	vst v7  }
0x5d: {  	v59 =	vld.idx.msk [tilespmem:v8+s5+$0x0], $0xffff;
	[tilespmem:s9+$0xFFFFFFE0] =	vst v5  }
0x5e: {  	v1 =	vld.idx.msk [tilespmem:v1+s5+$0x0], $0xffff;
	[tilespmem:s7+$0xFFFFFFE0] =	vst v3  }
0x5f: {  	v2 =	vcvt.s32.f32 v2;
	v0 =	vld.idx.msk [tilespmem:v0+s5+$0x0], $0xffff;
	[tilespmem:s9+$0xFFFFFFF0] =	vst v9  }
0x60: {  	s22 =	sadd.s32 $0x40, s8;
	[tilespmem:s7+$0xFFFFFFF0] =	vst v4  }
0x61: {  	v2 =	vmul.f32 $1.990000060e-05, v2;
	[tilespmem:s22+$0x0] =	vst v11  }
0x62: {  	[tilespmem:s22+$0xFFFFFFD0] =	vst v59  }
0x63: {  	v61 =	vmul.f32 $1.990000060e-05, v13;
	v2 =	vadd.f32 $9.999999740e-05, v2;
	[tilespmem:s22+$0xFFFFFFE0] =	vst v1  }
0x64: {  	s23 =	sadd.s32 $0x40, s7;
	v60 =	vmul.f32 $1.990000060e-05, v14;
	v62 =	vadd.f32 $9.999999740e-05, v12;
	[tilespmem:s22+$0xFFFFFFF0] =	vst v0  }
0x65: {  	v63 =	vadd.f32 $9.999999740e-05, v61;
	[tilespmem:s23+$0x0] =	vst v2  }
0x66: {  	v2 =	vadd.f32 $9.999999740e-05, v60;
	[tilespmem:s23+$0xFFFFFFE0] =	vst v62  }
0x67: {  	s4 =	sor.u32 $0x40, s4;
	[tilespmem:s23+$0xFFFFFFF0] =	vst v63  }
0x68: {  	s24 =	simm.s32 $0x0;
	s25 =	simm.s32 $0xA00;
	s3 =	sadd.s32 s3, s4;
	[tilespmem:s23+$0xFFFFFFD0] =	vst v2  }
0x69: {  	[hbm4b:s3+s24] =	stream.linear.scatter [tilespmem:s25], [sflag:$0x3], $0x200, $0x38;
	[tilespmem:$0x1000] =	vst v63  }
0x6a: {  	s26 =	simm.s32 $0xE00;
	s28 =	simm.s32 $0x1;
	s2 =	sadd.s32 s2, s4  }
0x6b: {  	[hbm4b:s2+s24] =	stream.linear.scatter [tilespmem:s26], [sflag:$0x4], $0x200, $0x38;
	[tilespmem:$0x1000] =	vst v63  }
0x6c: {  	_ =	swait.ge [sflag:s28], $0x200  }
0x6d: {  	[sflag:s28] =	ssyncset.done $0x0  }
0x6e: {  	s29 =	simm.s32 $0x2;
	[sflag:s28] =	ssyncadd.s32 $0xFFFFFE00  }
0x6f: {  	_ =	swait.ge [sflag:s29], $0x200  }
0x70: {  	[sflag:s29] =	ssyncset.done $0x0  }
0x71: {  	s30 =	simm.s32 $0x3;
	[sflag:s29] =	ssyncadd.s32 $0xFFFFFE00  }
0x72: {  	_ =	swait.ge [sflag:s30], $0x200  }
0x73: {  	[sflag:s30] =	ssyncset.done $0x0  }
0x74: {  	s31 =	simm.s32 $0x4;
	[sflag:s30] =	ssyncadd.s32 $0xFFFFFE00  }
0x75: {  	_ =	swait.ge [sflag:s31], $0x200  }
0x76: {  	[sflag:s31] =	ssyncset.done $0x0  }
0x77: {  	[sflag:s31] =	ssyncadd.s32 $0xFFFFFE00  }
0x78: {  	_ =	sfence.sel $0x180000  }
0x79: {  	[bflag:$0x0] =	sbarrier.arrive $0xFFFF  }
0x7a: {  	p0 =	sne.s32 s1, $0x0;
	_ =	strace $0x90000047  }
0x7b: {  	s0 =	sadd.s32 @!p0 $0x100000, s0;
	[bflag:$0x2] =	sbarrier.arrive $0xFFFF  }
0x7c: {  	[sflag:s0] =	ssyncadd.tile.s32 @!p0 $0x1;
	_ =	shalt  }
.Lfunc_end2:
_tile_overlayer_lowered:
.L_overlay_start_2:
0x7d: {  	(tag) =	ssettag $0x2  }
0x7e: {  	s0 =	rddreg [dreg:$0x0];
	s2 =	stileid.u32  }
0x7f: {  	s1 =	rddreg [dreg:$0x1];
	p0 =	sne.s32 s2, $0x0  }
0x80: {  	s3 =	rddreg [dreg:$0x2];
	[bflag:$0x3] =	sbarrier.arrive $0xFFFF;
	s2 =	simm.s32 @!p0 $0x1C05  }
0x81: {  	[timem:s3], [sflag:s2] =	dma.local @!p0 [hbm:s0], s1  }
0x82: {  	s0 =	simm.s32 @!p0 $0x5  }
0x83: {  	_ =	swait.ge @!p0 [sflag:s0], s1  }
0x84: {  	s1 =	ssub.s32 @!p0 $0x0, s1;
	[sflag:s0] =	ssyncset.done @!p0 $0x0  }
0x85: {  	[sflag:s0] =	ssyncadd.s32 @!p0 s1  }
0x86: {  	[bflag:$0x3] =	sbarrier.arrive $0xFFFF  }
0x87: {  	_ =	shalt  }

</sc_bundles>
